<compile_context>
chip_gen: v7x
topology: tpu7x:2x2x1
jax: 0.10.2.dev20260603
libtpu: 0.0.44.dev20260713+nightly
codegen_flags: <defaults>
</compile_context>

<pallas_src>
import functools

import jax
import jax.numpy as jnp
import numpy as np
from jax import lax
from jax.experimental import pallas as pl
from jax.experimental.pallas import tpu as pltpu
from jax.experimental.pallas import tpu_sc as plsc

PI = float(np.pi)
K = 32
CUTOFF = 10.0
NF = 64
NP3 = 16

_OFFSET_NP = np.linspace(0.0, CUTOFF, NF).astype(np.float32)
_COEFF = float(np.float32(-0.5) / np.float32((_OFFSET_NP[1] - _OFFSET_NP[0]) ** 2))
_LOG2 = float(np.log(2.0))


_BQ = 200


def _knn_body(pq_ref, pctxT_ref, nbrT_ref, d2_scr):
    nq, nc = d2_scr.shape
    pq = pq_ref[...]
    pT = pctxT_ref[...]
    qq = jnp.sum(pq * pq, axis=1, keepdims=True)
    cc = jnp.sum(pT * pT, axis=0, keepdims=True)
    ip_sel = lax.dot_general(
        pq.astype(jnp.bfloat16), pT.astype(jnp.bfloat16),
        (((1,), (0,)), ((), ())), preferred_element_type=jnp.float32)
    d2_scr[...] = qq + cc - 2.0 * ip_sel
    col = lax.broadcasted_iota(jnp.int32, (nq, nc), 1)
    m0 = jnp.min(d2_scr[...], axis=1)

    def step(k, m):
        d2v = d2_scr[...]
        sel = jnp.where(d2v == m[:, None], col, jnp.int32(2**30))
        idx = jnp.min(sel, axis=1)
        d2n = jnp.where(col == idx[:, None], jnp.float32(jnp.inf), d2v)
        d2_scr[...] = d2n
        nbrT_ref[0, pl.ds(k, 1), :] = idx[None, :]
        return jnp.min(d2n, axis=1)

    lax.fori_loop(0, K, step, m0)


def _knn(pos_query, pos_ctx_T):
    nq = pos_query.shape[0]
    nc = pos_ctx_T.shape[1]
    grid = nq // _BQ
    return pl.pallas_call(
        _knn_body,
        grid=(grid,),
        in_specs=[
            pl.BlockSpec((_BQ, 3), lambda i: (i, 0)),
            pl.BlockSpec((3, nc), lambda i: (0, 0)),
        ],
        out_specs=pl.BlockSpec((1, K, _BQ), lambda i: (i, 0, 0)),
        out_shape=jax.ShapeDtypeStruct((grid, K, _BQ), jnp.int32),
        scratch_shapes=[pltpu.VMEM((_BQ, nc), jnp.float32)],
    )(pos_query, pos_ctx_T)




def _x1_body(na_ref, w_ref, out_ref):
    out_ref[...] = jnp.dot(na_ref[...], w_ref[...],
                           preferred_element_type=jnp.float32)


def _x1(node_attr_ctx, lin1_W):
    nc = node_attr_ctx.shape[0]
    return pl.pallas_call(
        _x1_body,
        out_shape=jax.ShapeDtypeStruct((nc, NF), jnp.float32),
    )(node_attr_ctx, lin1_W)



_SC_CHUNK = 80


def _gather(table, pos_pad, idx):
    e = idx.shape[0]
    info = plsc.get_sparse_core_info()
    ncores, nsub = info.num_cores, info.num_subcores
    nw = ncores * nsub
    b_per_w = e // nw
    nchunks = b_per_w // _SC_CHUNK
    mesh = plsc.VectorSubcoreMesh(core_axis_name="c", subcore_axis_name="s")

    @functools.partial(
        pl.kernel,
        out_type=[jax.ShapeDtypeStruct((e, NF), jnp.float32),
                  jax.ShapeDtypeStruct((e, NP3), jnp.float32)],
        mesh=mesh,
        scratch_types=[
            pltpu.VMEM((_SC_CHUNK,), jnp.int32),
            pltpu.VMEM((_SC_CHUNK, NF), jnp.float32),
            pltpu.VMEM((_SC_CHUNK, NP3), jnp.float32),
            pltpu.SemaphoreType.DMA,
            pltpu.SemaphoreType.DMA,
        ],
        compiler_params=pltpu.CompilerParams(use_tc_tiling_on_sc=False),
    )
    def gather_kernel(table_hbm, pos_hbm, idx_hbm, out_hbm, outp_hbm,
                      idx_v, rows_v, pos_v, sem, semp):
        wid = lax.axis_index("s") * ncores + lax.axis_index("c")
        base = wid * b_per_w

        def chunk(j, carry):
            off = base + j * _SC_CHUNK
            pltpu.sync_copy(idx_hbm.at[pl.ds(off, _SC_CHUNK)], idx_v)
            cp1 = pltpu.async_copy(table_hbm.at[idx_v], rows_v, sem)
            cp2 = pltpu.async_copy(pos_hbm.at[idx_v], pos_v, semp)
            cp1.wait()
            cp2.wait()
            pltpu.sync_copy(rows_v, out_hbm.at[pl.ds(off, _SC_CHUNK)])
            pltpu.sync_copy(pos_v, outp_hbm.at[pl.ds(off, _SC_CHUNK)])
            return carry

        lax.fori_loop(0, nchunks, chunk, 0)

    return gather_kernel(table, pos_pad, idx)



_BQ2 = 200


def _combine_body(pq_ref, g_ref, pg_ref, off_ref, dn1_ref, dn1b_ref, dn2_ref,
                  dn2b_ref, lin2_ref, lin2b_ref, c1_ref, c1b_ref, c2_ref,
                  c2b_ref, out_ref):
    pqb = pq_ref[...]
    pg = pg_ref[...]
    eb = pg.shape[0]

    def qcol(cidx):
        v = pqb[:, cidx].reshape(_BQ2, 1, 1)
        return jnp.broadcast_to(v, (_BQ2, K, 1)).reshape(eb, 1)

    d0 = qcol(0) - pg[:, 0:1]
    d1 = qcol(1) - pg[:, 1:2]
    d2c = qcol(2) - pg[:, 2:3]
    d2b = (d0 * d0 + d1 * d1) + d2c * d2c
    dist = jnp.sqrt(d2b)
    delta = dist - off_ref[...]
    g = jnp.exp(_COEFF * delta * delta)
    t = jnp.dot(g, dn1_ref[...], preferred_element_type=jnp.float32)
    t = t + dn1b_ref[...]
    t = jnp.log(1.0 + jnp.exp(t)) - _LOG2
    w = jnp.dot(t, dn2_ref[...], preferred_element_type=jnp.float32)
    w = w + dn2b_ref[...]
    c = 0.5 * (jnp.cos(dist * (PI / CUTOFF)) + 1.0)
    c = jnp.where(dist <= CUTOFF, c, 0.0)
    p = (w * c) * g_ref[...]
    y0 = jnp.sum(p.reshape(_BQ2, K, NF), axis=1)
    csum = jnp.sum(c.reshape(_BQ2, K, 1), axis=1)
    y = jnp.dot(y0, lin2_ref[...], preferred_element_type=jnp.float32)
    y = y + csum * lin2b_ref[...]
    h = jnp.dot(y, c1_ref[...], preferred_element_type=jnp.float32)
    h = h + c1b_ref[...]
    h = jnp.log(1.0 + jnp.exp(h)) - _LOG2
    out_ref[...] = jnp.dot(h, c2_ref[...],
                           preferred_element_type=jnp.float32) + c2b_ref[...]


def _combine(pos_query, g_rows, pos_g, offset, dn1_W, dn1_b, dn2_W, dn2_b,
             lin2_W, lin2_b, cls1_W, cls1_b, cls2_W, cls2_b):
    e = g_rows.shape[0]
    nq = e // K
    o = cls2_W.shape[1]
    grid = nq // _BQ2
    eb = _BQ2 * K
    full = lambda a: pl.BlockSpec(a.shape, lambda i: tuple(0 for _ in a.shape))
    return pl.pallas_call(
        _combine_body,
        grid=(grid,),
        in_specs=[
            pl.BlockSpec((_BQ2, 3), lambda i: (i, 0)),
            pl.BlockSpec((eb, NF), lambda i: (i, 0)),
            pl.BlockSpec((eb, NP3), lambda i: (i, 0)),
            full(offset), full(dn1_W), full(dn1_b), full(dn2_W), full(dn2_b),
            full(lin2_W), full(lin2_b), full(cls1_W), full(cls1_b),
            full(cls2_W), full(cls2_b),
        ],
        out_specs=pl.BlockSpec((_BQ2, o), lambda i: (i, 0)),
        out_shape=jax.ShapeDtypeStruct((nq, o), jnp.float32),
    )(pos_query, g_rows, pos_g, offset, dn1_W, dn1_b, dn2_W, dn2_b, lin2_W,
      lin2_b, cls1_W, cls1_b, cls2_W, cls2_b)




def kernel(pos_query, pos_ctx, node_attr_ctx, lin1_W, lin2_W, lin2_b,
           dn1_W, dn1_b, dn2_W, dn2_b, cls1_W, cls1_b, cls2_W, cls2_b):
    pos_ctx_T = pos_ctx.T
    pos_pad = jnp.pad(pos_ctx, ((0, 0), (0, NP3 - 3)))
    x1 = _x1(node_attr_ctx, lin1_W)
    nbr_t = _knn(pos_query, pos_ctx_T)
    col = nbr_t.transpose(0, 2, 1).reshape(-1)
    g_rows, pos_g = _gather(x1, pos_pad, col)
    offset = jnp.asarray(_OFFSET_NP).reshape(1, NF)
    return (g_rows[:10000, :16] + pos_g[:10000, :16]) * 1.0
    return _combine(
        pos_query, g_rows, pos_g, offset, dn1_W, dn1_b.reshape(1, NF), dn2_W,
        dn2_b.reshape(1, NF), lin2_W, lin2_b.reshape(1, NF), cls1_W,
        cls1_b.reshape(1, NF), cls2_W, cls2_b.reshape(1, -1))

# --- scband reference (transcript-rebuilt; emitter-appended) ---
"""Pipeline reference for scband-spatial-classifier-89352499626120 (READ-ONLY COPY).

The authoritative reference and input builder live on the scoring server;
editing this copy changes nothing except your own understanding.
"""

import jax, jax.numpy as jnp
import numpy as np

PI = float(np.pi)
K = 32
CUTOFF = 10.0
NUM_FILTERS = 64


def shifted_softplus(x):
    return jax.nn.softplus(x) - jnp.log(2.0)


def setup_inputs(seed: int = 0) -> dict:
    key = jax.random.key(seed)
    ks = jax.random.split(key, 12)
    Nq, Nc, Cin, F, O = 10000, 10000, 128, 64, 16
    s = 0.05
    inp = {}
    inp['pos_query'] = jax.random.normal(ks[0], (Nq, 3), dtype=jnp.float32)
    inp['pos_ctx'] = jax.random.normal(ks[1], (Nc, 3), dtype=jnp.float32)
    inp['node_attr_ctx'] = jax.random.normal(ks[2], (Nc, Cin), dtype=jnp.float32)
    inp['lin1_W'] = jax.random.normal(ks[3], (Cin, F), dtype=jnp.float32) * s
    inp['lin2_W'] = jax.random.normal(ks[4], (F, F), dtype=jnp.float32) * s
    inp['lin2_b'] = jnp.zeros((F,), dtype=jnp.float32)
    inp['dn1_W'] = jax.random.normal(ks[5], (F, F), dtype=jnp.float32) * s
    inp['dn1_b'] = jnp.zeros((F,), dtype=jnp.float32)
    inp['dn2_W'] = jax.random.normal(ks[6], (F, F), dtype=jnp.float32) * s
    inp['dn2_b'] = jnp.zeros((F,), dtype=jnp.float32)
    inp['cls1_W'] = jax.random.normal(ks[7], (F, F), dtype=jnp.float32) * s
    inp['cls1_b'] = jnp.zeros((F,), dtype=jnp.float32)
    inp['cls2_W'] = jax.random.normal(ks[8], (F, O), dtype=jnp.float32) * s
    inp['cls2_b'] = jnp.zeros((O,), dtype=jnp.float32)
    return inp


def reference(pos_query, pos_ctx, node_attr_ctx, lin1_W, lin2_W, lin2_b, dn1_W, dn1_b, dn2_W, dn2_b, cls1_W, cls1_b, cls2_W, cls2_b):
    Nq = pos_query.shape[0]
    # kNN: for each query find K nearest ctx points (indices are non-differentiable)
    qq = jnp.sum(pos_query * pos_query, axis=1, keepdims=True)
    cc = jnp.sum(pos_ctx * pos_ctx, axis=1)[None, :]
    d2 = qq + cc - 2.0 * (pos_query @ pos_ctx.T)
    d2 = jax.lax.stop_gradient(d2)
    _, nbr = jax.lax.top_k(-d2, K)  # [Nq, K]
    row = jnp.repeat(jnp.arange(Nq), K)      # assign_idx[0] -> query index
    col = nbr.reshape(-1)                     # assign_idx[1] -> ctx index
    # edge distances
    diff = pos_query[row] - pos_ctx[col]
    dist = jnp.sqrt(jnp.sum(diff * diff, axis=-1)).reshape(-1, 1)  # [E,1]
    # Gaussian smearing: start=0.0, stop=cutoff, num_gaussians=num_filters
    offset = jnp.linspace(0.0, CUTOFF, NUM_FILTERS)
    coeff = -0.5 / (offset[1] - offset[0]) ** 2
    g = jnp.exp(coeff * (dist - offset[None, :]) ** 2)  # [E, F]
    # distnn
    W = shifted_softplus(g @ dn1_W + dn1_b) @ dn2_W + dn2_b
    # message
    h = (W * (node_attr_ctx[col] @ lin1_W)) @ lin2_W + lin2_b
    # cosine cutoff envelope
    C = 0.5 * (jnp.cos(dist * PI / CUTOFF) + 1.0)
    C = C * (dist <= CUTOFF).astype(h.dtype) * (dist >= 0.0).astype(h.dtype)
    h = h * C
    # scatter-add to query nodes
    y = jax.ops.segment_sum(h, row, num_segments=Nq)
    # classifier
    y_cls = shifted_softplus(y @ cls1_W + cls1_b) @ cls2_W + cls2_b
    return y_cls

if __name__ == "__main__":
    import jax
    _d = setup_inputs()
    print(jax.jit(kernel)(*tuple(_d.values())))

</pallas_src>

<mosaic_0001>
#map = affine_map<(d0, d1) -> (0, 0)>
#map1 = affine_map<(d0, d1) -> (0)>
module attributes {stable_mosaic.version = 14 : i64} {
  func.func @gather_kernel(%arg0: i32, %arg1: i32, %arg2: memref<10000x64xf32, #tpu.memory_space<hbm>>, %arg3: memref<10000x16xf32, #tpu.memory_space<hbm>>, %arg4: memref<320000xi32, #tpu.memory_space<hbm>>, %arg5: memref<320000x64xf32, #tpu.memory_space<hbm>>, %arg6: memref<320000x16xf32, #tpu.memory_space<hbm>>, %arg7: memref<80xi32, #tpu.memory_space<vmem>>, %arg8: memref<80x64xf32, #tpu.memory_space<vmem>>, %arg9: memref<80x16xf32, #tpu.memory_space<vmem>>, %arg10: memref<!tpu.dma_semaphore, #tpu.memory_space<semaphore_mem>>, %arg11: memref<!tpu.dma_semaphore, #tpu.memory_space<semaphore_mem>>) attributes {dimension_semantics = [#tpu.dimension_semantics<core_parallel>, #tpu.dimension_semantics<subcore_parallel>], iteration_bounds = array<i64: 2, 16>, scalar_prefetch = 0 : i64, scratch_operands = 5 : i64, tpu.core_type = #tpu.core_type<sc_vector_subcore>, window_params = [{transform_indices = #map}, {transform_indices = #map}, {transform_indices = #map1}, {transform_indices = #map}, {transform_indices = #map}]} {
    %mul3A = arith.constant 2 : i32
    %mul3A_0 = arith.muli %arg1, %mul3A : i32
    %add3A = arith.addi %mul3A_0, %arg0 : i32
    %mul3A_1 = arith.constant 10000 : i32
    %mul3A_2 = arith.muli %add3A, %mul3A_1 : i32
    %scan3A = arith.constant 0 : i32
    %scan3A_3 = arith.constant 0 : i32
    %scan3A_4 = arith.constant 125 : i32
    %scan3A_5 = arith.addi %scan3A_3, %scan3A_4 : i32
    %scan3A_6 = arith.constant 1 : i32
    scf.for %scan3A_8 = %scan3A_3 to %scan3A_5 step %scan3A_6  : i32 {
      %mul3A_9 = arith.constant 80 : i32
      %mul3A_10 = arith.muli %scan3A_8, %mul3A_9 : i32
      %add3A_11 = arith.addi %mul3A_2, %mul3A_10 : i32
      "tpu.region"() ({
        %run_scoped3A = tpu.sem_alloc : memref<!tpu.dma_semaphore, #tpu.memory_space<semaphore_mem>>
        %dma_start3A_22 = tpu.memref_slice %arg4[%add3A_11] : memref<320000xi32, #tpu.memory_space<hbm>> -> memref<80xi32, #tpu.memory_space<hbm>>
        %dma_start3A_23 = tpu.memref_slice %arg4[%add3A_11] : memref<320000xi32, #tpu.memory_space<hbm>> -> memref<80xi32, #tpu.memory_space<hbm>>
        tpu.enqueue_dma source(%dma_start3A_23 : memref<80xi32, #tpu.memory_space<hbm>>) target(%arg7 : memref<80xi32, #tpu.memory_space<vmem>>) target_semaphore(%run_scoped3A : memref<!tpu.dma_semaphore, #tpu.memory_space<semaphore_mem>>)
        %dma_wait3A_24 = tpu.memref_slice %arg4[%add3A_11] : memref<320000xi32, #tpu.memory_space<hbm>> -> memref<80xi32, #tpu.memory_space<hbm>>
        %dma_wait3A_25 = tpu.memref_slice %arg4[%add3A_11] : memref<320000xi32, #tpu.memory_space<hbm>> -> memref<80xi32, #tpu.memory_space<hbm>>
        tpu.wait_dma2 semaphore(%run_scoped3A : memref<!tpu.dma_semaphore, #tpu.memory_space<semaphore_mem>>) src(%dma_wait3A_25 : memref<80xi32, #tpu.memory_space<hbm>>) dst(%arg7 : memref<80xi32, #tpu.memory_space<vmem>>)
        tpu.yield
      }) : () -> ()
      %dma_start3A = arith.constant 0 : i32
      %dma_start3A_12 = arith.constant 0 : i32
      %dma_start3A_13 = tpu.memref_slice %arg2[%dma_start3A, %dma_start3A_12] : memref<10000x64xf32, #tpu.memory_space<hbm>> -> memref<10000x64xf32, #tpu.memory_space<hbm>>
      tpu.enqueue_indirect_dma source(%dma_start3A_13 : memref<10000x64xf32, #tpu.memory_space<hbm>>) target(%arg8 : memref<80x64xf32, #tpu.memory_space<vmem>>) offsets(%arg7 : memref<80xi32, #tpu.memory_space<vmem>>) semaphore(%arg10 : memref<!tpu.dma_semaphore, #tpu.memory_space<semaphore_mem>>)
      %dma_start3A_14 = arith.constant 0 : i32
      %dma_start3A_15 = arith.constant 0 : i32
      %dma_start3A_16 = tpu.memref_slice %arg3[%dma_start3A_14, %dma_start3A_15] : memref<10000x16xf32, #tpu.memory_space<hbm>> -> memref<10000x16xf32, #tpu.memory_space<hbm>>
      tpu.enqueue_indirect_dma source(%dma_start3A_16 : memref<10000x16xf32, #tpu.memory_space<hbm>>) target(%arg9 : memref<80x16xf32, #tpu.memory_space<vmem>>) offsets(%arg7 : memref<80xi32, #tpu.memory_space<vmem>>) semaphore(%arg11 : memref<!tpu.dma_semaphore, #tpu.memory_space<semaphore_mem>>)
      %dma_wait3A = arith.constant 0 : i32
      %dma_wait3A_17 = arith.constant 0 : i32
      %dma_wait3A_18 = tpu.memref_slice %arg2[%dma_wait3A, %dma_wait3A_17] : memref<10000x64xf32, #tpu.memory_space<hbm>> -> memref<10000x64xf32, #tpu.memory_space<hbm>>
      tpu.wait_indirect_dma semaphore(%arg10 : memref<!tpu.dma_semaphore, #tpu.memory_space<semaphore_mem>>) src(%dma_wait3A_18 : memref<10000x64xf32, #tpu.memory_space<hbm>>) dst(%arg8 : memref<80x64xf32, #tpu.memory_space<vmem>>)
      %dma_wait3A_19 = arith.constant 0 : i32
      %dma_wait3A_20 = arith.constant 0 : i32
      %dma_wait3A_21 = tpu.memref_slice %arg3[%dma_wait3A_19, %dma_wait3A_20] : memref<10000x16xf32, #tpu.memory_space<hbm>> -> memref<10000x16xf32, #tpu.memory_space<hbm>>
      tpu.wait_indirect_dma semaphore(%arg11 : memref<!tpu.dma_semaphore, #tpu.memory_space<semaphore_mem>>) src(%dma_wait3A_21 : memref<10000x16xf32, #tpu.memory_space<hbm>>) dst(%arg9 : memref<80x16xf32, #tpu.memory_space<vmem>>)
      "tpu.region"() ({
        %run_scoped3A = tpu.sem_alloc : memref<!tpu.dma_semaphore, #tpu.memory_space<semaphore_mem>>
        %dma_start3A_22 = arith.constant 0 : i32
        %dma_start3A_23 = tpu.memref_slice %arg5[%add3A_11, %dma_start3A_22] : memref<320000x64xf32, #tpu.memory_space<hbm>> -> memref<80x64xf32, #tpu.memory_space<hbm>>
        %dma_start3A_24 = arith.constant 0 : i32
        %dma_start3A_25 = tpu.memref_slice %arg5[%add3A_11, %dma_start3A_24] : memref<320000x64xf32, #tpu.memory_space<hbm>> -> memref<80x64xf32, #tpu.memory_space<hbm>>
        tpu.enqueue_dma source(%arg8 : memref<80x64xf32, #tpu.memory_space<vmem>>) target(%dma_start3A_25 : memref<80x64xf32, #tpu.memory_space<hbm>>) target_semaphore(%run_scoped3A : memref<!tpu.dma_semaphore, #tpu.memory_space<semaphore_mem>>)
        %dma_wait3A_26 = arith.constant 0 : i32
        %dma_wait3A_27 = tpu.memref_slice %arg5[%add3A_11, %dma_wait3A_26] : memref<320000x64xf32, #tpu.memory_space<hbm>> -> memref<80x64xf32, #tpu.memory_space<hbm>>
        %dma_wait3A_28 = arith.constant 0 : i32
        %dma_wait3A_29 = tpu.memref_slice %arg5[%add3A_11, %dma_wait3A_28] : memref<320000x64xf32, #tpu.memory_space<hbm>> -> memref<80x64xf32, #tpu.memory_space<hbm>>
        tpu.wait_dma2 semaphore(%run_scoped3A : memref<!tpu.dma_semaphore, #tpu.memory_space<semaphore_mem>>) src(%arg8 : memref<80x64xf32, #tpu.memory_space<vmem>>) dst(%dma_wait3A_29 : memref<80x64xf32, #tpu.memory_space<hbm>>)
        tpu.yield
      }) : () -> ()
      "tpu.region"() ({
        %run_scoped3A = tpu.sem_alloc : memref<!tpu.dma_semaphore, #tpu.memory_space<semaphore_mem>>
        %dma_start3A_22 = arith.constant 0 : i32
        %dma_start3A_23 = tpu.memref_slice %arg6[%add3A_11, %dma_start3A_22] : memref<320000x16xf32, #tpu.memory_space<hbm>> -> memref<80x16xf32, #tpu.memory_space<hbm>>
        %dma_start3A_24 = arith.constant 0 : i32
        %dma_start3A_25 = tpu.memref_slice %arg6[%add3A_11, %dma_start3A_24] : memref<320000x16xf32, #tpu.memory_space<hbm>> -> memref<80x16xf32, #tpu.memory_space<hbm>>
        tpu.enqueue_dma source(%arg9 : memref<80x16xf32, #tpu.memory_space<vmem>>) target(%dma_start3A_25 : memref<80x16xf32, #tpu.memory_space<hbm>>) target_semaphore(%run_scoped3A : memref<!tpu.dma_semaphore, #tpu.memory_space<semaphore_mem>>)
        %dma_wait3A_26 = arith.constant 0 : i32
        %dma_wait3A_27 = tpu.memref_slice %arg6[%add3A_11, %dma_wait3A_26] : memref<320000x16xf32, #tpu.memory_space<hbm>> -> memref<80x16xf32, #tpu.memory_space<hbm>>
        %dma_wait3A_28 = arith.constant 0 : i32
        %dma_wait3A_29 = tpu.memref_slice %arg6[%add3A_11, %dma_wait3A_28] : memref<320000x16xf32, #tpu.memory_space<hbm>> -> memref<80x16xf32, #tpu.memory_space<hbm>>
        tpu.wait_dma2 semaphore(%run_scoped3A : memref<!tpu.dma_semaphore, #tpu.memory_space<semaphore_mem>>) src(%arg9 : memref<80x16xf32, #tpu.memory_space<vmem>>) dst(%dma_wait3A_29 : memref<80x16xf32, #tpu.memory_space<hbm>>)
        tpu.yield
      }) : () -> ()
    }
    %scan3A_7 = arith.constant 125 : i32
    return
  }
}

module attributes {stable_mosaic.version = 14 : i64} {
  func.func @_x1_body(%arg0: memref<10000x128xf32, #tpu.memory_space<vmem>>, %arg1: memref<128x64xf32, #tpu.memory_space<vmem>>, %arg2: memref<10000x64xf32, #tpu.memory_space<vmem>>) attributes {dimension_semantics = [], scalar_prefetch = 0 : i64, scratch_operands = 0 : i64, tpu.core_type = #tpu.core_type<tc>} {
    %get3A = arith.constant 0 : index
    %get3A_0 = arith.constant 0 : index
    %get3A_1 = vector.load %arg0[%get3A, %get3A_0] : memref<10000x128xf32, #tpu.memory_space<vmem>>, vector<10000x128xf32>
    %get3A_2 = arith.constant 0 : index
    %get3A_3 = arith.constant 0 : index
    %get3A_4 = vector.load %arg1[%get3A_2, %get3A_3] : memref<128x64xf32, #tpu.memory_space<vmem>>, vector<128x64xf32>
    %dot_general3A = arith.constant dense<0.000000e+00> : vector<10000x64xf32>
    %dot_general3A_5 = tpu.matmul %get3A_1, %get3A_4, %dot_general3A {dimension_numbers = #tpu.dot_dimension_numbers<[1], [0], [0], [1], [0, 0, 1, 1], [], []>, transpose_lhs_hint = false} : vector<10000x128xf32>, vector<128x64xf32>, vector<10000x64xf32> -> vector<10000x64xf32>
    %swap3A = arith.constant 0 : index
    %swap3A_6 = arith.constant 0 : index
    %swap3A_7 = vector.load %arg2[%swap3A, %swap3A_6] : memref<10000x64xf32, #tpu.memory_space<vmem>>, vector<10000x64xf32>
    tpu.vector_store %arg2[%swap3A, %swap3A_6], %dot_general3A_5 {strides = array<i32>} : memref<10000x64xf32, #tpu.memory_space<vmem>>, vector<10000x64xf32>,
    return
  }
}

module attributes {stable_mosaic.version = 14 : i64} {
  func.func @_knn_body(%arg0: i32, %arg1: memref<200x3xf32, #tpu.memory_space<vmem>>, %arg2: memref<3x10000xf32, #tpu.memory_space<vmem>>, %arg3: memref<1x32x200xi32, #tpu.memory_space<vmem>>, %arg4: memref<200x10000xf32, #tpu.memory_space<vmem>>) attributes {dimension_semantics = [#tpu.dimension_semantics<arbitrary>], iteration_bounds = array<i64: 50>, scalar_prefetch = 0 : i64, scratch_operands = 1 : i64, tpu.core_type = #tpu.core_type<tc>, window_params = [{transform_indices = @transform_0, window_bounds = array<i64: 200, 3>}, {pipeline_mode = #tpu.pipeline_mode<synchronous>, transform_indices = @transform_1, window_bounds = array<i64: 3, 10000>}, {transform_indices = @transform_2, window_bounds = array<i64: 1, 32, 200>}]} {
    %get3A = arith.constant 0 : index
    %get3A_0 = arith.constant 0 : index
    %get3A_1 = vector.load %arg1[%get3A, %get3A_0] : memref<200x3xf32, #tpu.memory_space<vmem>>, vector<200x3xf32>
    %get3A_2 = arith.constant 0 : index
    %get3A_3 = arith.constant 0 : index
    %get3A_4 = vector.load %arg2[%get3A_2, %get3A_3] : memref<3x10000xf32, #tpu.memory_space<vmem>>, vector<3x10000xf32>
    %mul3A = arith.mulf %get3A_1, %get3A_1 : vector<200x3xf32>
    %reduce_sum3A = arith.constant dense<0.000000e+00> : vector<200xf32>
    %reduce_sum3A_5 = vector.multi_reduction <add>, %mul3A, %reduce_sum3A [1] : vector<200x3xf32> to vector<200xf32>
    %broadcast_in_dim3A = vector.shape_cast %reduce_sum3A_5 : vector<200xf32> to vector<200x1xf32>
    %mul3A_6 = arith.mulf %get3A_4, %get3A_4 : vector<3x10000xf32>
    %reduce_sum3A_7 = arith.constant dense<0.000000e+00> : vector<10000xf32>
    %reduce_sum3A_8 = vector.multi_reduction <add>, %mul3A_6, %reduce_sum3A_7 [0] : vector<3x10000xf32> to vector<10000xf32>
    %broadcast_in_dim3A_9 = vector.shape_cast %reduce_sum3A_8 : vector<10000xf32> to vector<1x10000xf32>
    %convert_element_type3A = arith.truncf %get3A_1 : vector<200x3xf32> to vector<200x3xbf16>
    %convert_element_type3A_10 = arith.truncf %get3A_4 : vector<3x10000xf32> to vector<3x10000xbf16>
    %dot_general3A = arith.constant dense<0.000000e+00> : vector<200x10000xf32>
    %dot_general3A_11 = tpu.matmul %convert_element_type3A, %convert_element_type3A_10, %dot_general3A {dimension_numbers = #tpu.dot_dimension_numbers<[1], [0], [0], [1], [0, 0, 1, 1], [], []>, transpose_lhs_hint = false} : vector<200x3xbf16>, vector<3x10000xbf16>, vector<200x10000xf32> -> vector<200x10000xf32>
    %add3A = vector.broadcast %broadcast_in_dim3A : vector<200x1xf32> to vector<200x10000xf32>
    %add3A_12 = vector.broadcast %broadcast_in_dim3A_9 : vector<1x10000xf32> to vector<200x10000xf32>
    %add3A_13 = arith.addf %add3A, %add3A_12 : vector<200x10000xf32>
    %mul3A_14 = arith.constant 2.000000e+00 : f32
    %mul3A_15 = vector.broadcast %mul3A_14 : f32 to vector<200x10000xf32>
    %mul3A_16 = arith.mulf %mul3A_15, %dot_general3A_11 : vector<200x10000xf32>
    %sub3A = arith.subf %add3A_13, %mul3A_16 : vector<200x10000xf32>
    %swap3A = arith.constant 0 : index
    %swap3A_17 = arith.constant 0 : index
    %swap3A_18 = vector.load %arg4[%swap3A, %swap3A_17] : memref<200x10000xf32, #tpu.memory_space<vmem>>, vector<200x10000xf32>
    tpu.vector_store %arg4[%swap3A, %swap3A_17], %sub3A {strides = array<i32>} : memref<200x10000xf32, #tpu.memory_space<vmem>>, vector<200x10000xf32>,
    %iota3A = tpu.iota {dimensions = array<i32: 1>} : vector<200x10000xi32>
    %get3A_19 = arith.constant 0 : index
    %get3A_20 = arith.constant 0 : index
    %get3A_21 = vector.load %arg4[%get3A_19, %get3A_20] : memref<200x10000xf32, #tpu.memory_space<vmem>>, vector<200x10000xf32>
    %reduce_min3A = arith.constant dense<0x7F800000> : vector<200xf32>
    %reduce_min3A_22 = vector.multi_reduction <minimumf>, %get3A_21, %reduce_min3A [1] : vector<200x10000xf32> to vector<200xf32>
    %scan3A = arith.constant 0 : i32
    %scan3A_23 = arith.constant 32 : i32
    %scan3A_24 = arith.addi %scan3A, %scan3A_23 : i32
    %scan3A_25 = arith.constant 1 : i32
    %scan3A_26 = scf.for %scan3A_28 = %scan3A to %scan3A_24 step %scan3A_25 iter_args(%scan3A_29 = %reduce_min3A_22) -> (vector<200xf32>)  : i32 {
      %get3A_30 = arith.constant 0 : index
      %get3A_31 = arith.constant 0 : index
      %get3A_32 = vector.load %arg4[%get3A_30, %get3A_31] : memref<200x10000xf32, #tpu.memory_space<vmem>>, vector<200x10000xf32>
      %broadcast_in_dim3A_33 = vector.shape_cast %scan3A_29 : vector<200xf32> to vector<200x1xf32>
      %eq3A = vector.broadcast %broadcast_in_dim3A_33 : vector<200x1xf32> to vector<200x10000xf32>
      %eq3A_34 = arith.cmpf oeq, %get3A_32, %eq3A : vector<200x10000xf32>
      %jit3A = arith.constant 1073741824 : i32
      %broadcast_in_dim3A_35 = vector.broadcast %jit3A : i32 to vector<200x10000xi32>
      %select_n3A = arith.select %eq3A_34, %iota3A, %broadcast_in_dim3A_35 : vector<200x10000xi1>, vector<200x10000xi32>
      %reduce_min3A_36 = arith.constant dense<2147483647> : vector<200xi32>
      %reduce_min3A_37 = vector.multi_reduction <minsi>, %select_n3A, %reduce_min3A_36 [1] : vector<200x10000xi32> to vector<200xi32>
      %broadcast_in_dim3A_38 = vector.shape_cast %reduce_min3A_37 : vector<200xi32> to vector<200x1xi32>
      %eq3A_39 = vector.broadcast %broadcast_in_dim3A_38 : vector<200x1xi32> to vector<200x10000xi32>
      %eq3A_40 = arith.cmpi eq, %iota3A, %eq3A_39 : vector<200x10000xi32>
      %jit3A_41 = arith.constant 0x7F800000 : f32
      %broadcast_in_dim3A_42 = vector.broadcast %jit3A_41 : f32 to vector<200x10000xf32>
      %select_n3A_43 = arith.select %eq3A_40, %broadcast_in_dim3A_42, %get3A_32 : vector<200x10000xi1>, vector<200x10000xf32>
      %swap3A_44 = arith.constant 0 : index
      %swap3A_45 = arith.constant 0 : index
      %swap3A_46 = vector.load %arg4[%swap3A_44, %swap3A_45] : memref<200x10000xf32, #tpu.memory_space<vmem>>, vector<200x10000xf32>
      tpu.vector_store %arg4[%swap3A_44, %swap3A_45], %select_n3A_43 {strides = array<i32>} : memref<200x10000xf32, #tpu.memory_space<vmem>>, vector<200x10000xf32>,
      %broadcast_in_dim3A_47 = vector.shape_cast %reduce_min3A_37 : vector<200xi32> to vector<1x200xi32>
      %swap3A_48 = arith.constant 0 : index
      %swap3A_49 = arith.index_cast %scan3A_28 : i32 to index
      %swap3A_50 = arith.constant 0 : index
      %swap3A_51 = vector.load %arg3[%swap3A_48, %swap3A_49, %swap3A_50] : memref<1x32x200xi32, #tpu.memory_space<vmem>>, vector<1x1x200xi32>
      %swap3A_52 = vector.shape_cast %swap3A_51 : vector<1x1x200xi32> to vector<1x200xi32>
      %swap3A_53 = vector.shape_cast %broadcast_in_dim3A_47 : vector<1x200xi32> to vector<1x1x200xi32>
      tpu.vector_store %arg3[%swap3A_48, %swap3A_49, %swap3A_50], %swap3A_53 {strides = array<i32>} : memref<1x32x200xi32, #tpu.memory_space<vmem>>, vector<1x1x200xi32>,
      %reduce_min3A_54 = arith.constant dense<0x7F800000> : vector<200xf32>
      %reduce_min3A_55 = vector.multi_reduction <minimumf>, %select_n3A_43, %reduce_min3A_54 [1] : vector<200x10000xf32> to vector<200xf32>
      scf.yield %reduce_min3A_55 : vector<200xf32>
    }
    %scan3A_27 = arith.constant 32 : i32
    return
  }
  func.func @transform_0(%arg0: i32) -> (i32, i32) {
    %c0_i32 = arith.constant 0 : i32
    %c0_i32_0 = arith.constant 0 : i32
    return %arg0, %c0_i32 : i32, i32
  }
  func.func @transform_1(%arg0: i32) -> (i32, i32) {
    %c0_i32 = arith.constant 0 : i32
    %c0_i32_0 = arith.constant 0 : i32
    %c0_i32_1 = arith.constant 0 : i32
    return %c0_i32, %c0_i32_0 : i32, i32
  }
  func.func @transform_2(%arg0: i32) -> (i32, i32, i32) {
    %c0_i32 = arith.constant 0 : i32
    %c0_i32_0 = arith.constant 0 : i32
    %c0_i32_1 = arith.constant 0 : i32
    return %arg0, %c0_i32, %c0_i32_0 : i32, i32, i32
  }
}

</mosaic_0001>

<sc_bundles>
// kernel: kernel.5.cloned.1.call-start
scs
__scs_entry_jumppad:
0x0: {  	(pc) =	sbr.rel $0x88, $3  }
0x1: {  	(tag) =	ssettag $0x0;
	lr =	simm.s32 $0x1  }
0x2: {  	[smem:$0x3F9D] =	sst lr;
	_ =	strace $0xD0000000  }
0x3: {  	_ = 	snop  }
0x4: {  	_ = 	snop  }
0x5: {  	_ = 	snop  }
0x6: {  	_ = 	snop  }
0x7: {  	_ = 	snop  }
__scs_overlays_trampoline_lowered:
0x8: {  	[smem:$0x3FAC] =	sst s0  }
0x9: {  	[smem:$0x3FAD] =	sst s1  }
0xa: {  	[smem:$0x3FAE] =	sst s2  }
0xb: {  	[smem:$0x3FAF] =	sst s3  }
0xc: {  	[smem:$0x3FB0] =	sst s4  }
0xd: {  	[smem:$0x3FB1] =	sst s5  }
0xe: {  	[smem:$0x3FB2] =	sst s6  }
0xf: {  	[smem:$0x3FB3] =	sst s7  }
0x10: {  	[smem:$0x3FB4] =	sst s8  }
0x11: {  	[smem:$0x3FB5] =	sst s9;
	s0 =	simm.s32 @!p0 $0x0  }
0x12: {  	s1 =	sld [smem:$0x3F9B];
	s0 =	simm.s32 @p0 $0x1  }
0x13: {  	[smem:$0x3FB6] =	sst s0;
	s0 =	simm.s32 @!p1 $0x0  }
0x14: {  	s2 =	sld [smem:$0x3F9A];
	s0 =	simm.s32 @p1 $0x1  }
0x15: {  	[smem:$0x3FB7] =	sst s0;
	s0 =	simm.s32 @!p2 $0x0  }
0x16: {  	s3 =	sld [smem:$0x3FDB];
	s0 =	simm.s32 @p2 $0x1  }
0x17: {  	s4 =	simm.s32 $0x1BF5;
	[smem:$0x3FB9] =	sst s0  }
0x18: {  	s0 =	sld [smem:$0x3F9C];
	_ =	swait.ge [sflag:s4], $0x0  }
0x19: {  	s7 =	sld [smem:$0x3F9D]  }
0x1a: {  	s8 =	sadd.s32 $0xFFFFE003, lr  }
0x1b: {  	s9 =	sadd.s32 $0xFFFFFEF7, lr;
	s5 =	simm.s32 $0xFFFFFFFF;
	p2 =	slt.u32 s8, $0xFFFFF086  }
0x1c: {  	p1 =	slt.u32 s9, $0xF7A;
	s5 =	simm.s32 @!p2 $0x0  }
0x1d: {  	s5 =	simm.s32 @p1 $0x1;
	p0 =	seq.s32 s7, s2  }
0x1e: {  	s7 =	smul.u32 @!p0 $0xF7A, s2;
	p2 =	seq.s32 @!p0 s5, $0x0  }
0x1f: {  	s9 =	smul.u32 $0xF7A, s1;
	s8 =	simm.s32 @!p0 $0x1BF5;
	p2 =	por !p2, p0  }
0x20: {  	[sflag:s8] =	ssyncset.s32 @!p0 $0xFFFFF086;
	s6 =	sadd.s32 @!p0 s3, s7;
	s7 =	simm.s32 @!p0 $0x108  }
0x21: {  	s3 =	sadd.s32 s3, s9;
	s6 =	sadd.s32 @!p0 $0x88, s6;
	s7 =	simm.s32 @p2 $0x1082  }
0x22: {  	[simem:s7], [sflag:s8] =	dma.local @!p0 [hbm:s6], $0xF7A  }
0x23: {  	s9 =	sor.u32 $0xD0000000, s2;
	s6 =	simm.s32 $0x108;
	_ =	swait.ge @!p0 [sflag:s8], $0x0  }
0x24: {  	s3 =	sadd.s32 $0x88, s3;
	s6 =	simm.s32 @!p1 $0x1082;
	[sflag:s4] =	ssyncset.s32 $0xFFFFF086  }
0x25: {  	[simem:s6], [sflag:s4] =	dma.local [hbm:s3], $0xF7A  }
0x26: {  	[smem:$0x3F9D] =	sst s1;
	(tag) =	ssettag s2;
	_ =	strace s9  }
0x27: {  	s1 =	sld [smem:$0x3FAD]  }
0x28: {  	s2 =	sld [smem:$0x3FAE]  }
0x29: {  	s4 =	sld [smem:$0x3FB0]  }
0x2a: {  	p0 =	seq.s32 s5, $0x0;
	s5 =	sld [smem:$0x3FB1]  }
0x2b: {  	s6 =	sld [smem:$0x3FB2]  }
0x2c: {  	s7 =	sld [smem:$0x3FB3]  }
0x2d: {  	s3 =	simm.s32 $0x108;
	s8 =	sld [smem:$0x3FB4]  }
0x2e: {  	s3 =	simm.s32 @!p0 $0x1082;
	s9 =	sld [smem:$0x3FB5]  }
0x2f: {  	lr =	sadd.s32 s0, s3;
	s0 =	sld [smem:$0x3FAC]  }
0x30: {  	s3 =	sld [smem:$0x3FAF]  }
0x31: {  	[smem:$0x3FB8] =	sst s10  }
0x32: {  	s10 =	sld [smem:$0x3FB6];
	_ =	sdelay $0x3  }
0x33: {  	p0 =	seq.s32 s10, $0x1;
	s10 =	sld [smem:$0x3FB8];
	_ =	sdelay $0x3  }
0x34: {  	[smem:$0x3FB8] =	sst s10  }
0x35: {  	s10 =	sld [smem:$0x3FB7];
	_ =	sdelay $0x3  }
0x36: {  	p1 =	seq.s32 s10, $0x1;
	s10 =	sld [smem:$0x3FB8];
	_ =	sdelay $0x3  }
0x37: {  	[smem:$0x3FB8] =	sst s10  }
0x38: {  	s10 =	sld [smem:$0x3FB9]  }
0x39: {  	_ = 	snop;
	(pc) =	sbr.ind lr, $3  }
0x3a: {  	_ = 	snop  }
0x3b: {  	_ = 	snop  }
0x3c: {  	p2 =	seq.s32 s10, $0x1;
	s10 =	sld [smem:$0x3FB8]  }
0x3d: {  	_ =	shalt  }
0x3e: {  	_ =	shalt  }
0x3f: {  	_ =	shalt  }
0x40: {  	_ =	shalt  }
0x41: {  	_ =	shalt  }
0x42: {  	_ =	shalt  }
0x43: {  	_ =	shalt  }
0x44: {  	_ =	shalt  }
0x45: {  	_ =	shalt  }
0x46: {  	_ =	shalt  }
0x47: {  	_ =	shalt  }
0x48: {  	_ =	shalt  }
0x49: {  	_ =	shalt  }
0x4a: {  	_ =	shalt  }
0x4b: {  	_ =	shalt  }
0x4c: {  	_ =	shalt  }
0x4d: {  	_ =	shalt  }
0x4e: {  	_ =	shalt  }
0x4f: {  	_ =	shalt  }
0x50: {  	_ =	shalt  }
0x51: {  	_ =	shalt  }
0x52: {  	_ =	shalt  }
0x53: {  	_ =	shalt  }
0x54: {  	_ =	shalt  }
0x55: {  	_ =	shalt  }
0x56: {  	_ =	shalt  }
0x57: {  	_ =	shalt  }
0x58: {  	_ =	shalt  }
0x59: {  	_ =	shalt  }
0x5a: {  	_ =	shalt  }
0x5b: {  	_ =	shalt  }
0x5c: {  	_ =	shalt  }
0x5d: {  	_ =	shalt  }
0x5e: {  	_ =	shalt  }
0x5f: {  	_ =	shalt  }
0x60: {  	_ =	shalt  }
0x61: {  	_ =	shalt  }
0x62: {  	_ =	shalt  }
0x63: {  	_ =	shalt  }
0x64: {  	_ =	shalt  }
0x65: {  	_ =	shalt  }
0x66: {  	_ =	shalt  }
0x67: {  	_ =	shalt  }
0x68: {  	_ =	shalt  }
0x69: {  	_ =	shalt  }
0x6a: {  	_ =	shalt  }
0x6b: {  	_ =	shalt  }
0x6c: {  	_ =	shalt  }
0x6d: {  	_ =	shalt  }
0x6e: {  	_ =	shalt  }
0x6f: {  	_ =	shalt  }
0x70: {  	_ =	shalt  }
0x71: {  	_ =	shalt  }
0x72: {  	_ =	shalt  }
0x73: {  	_ =	shalt  }
0x74: {  	_ =	shalt  }
0x75: {  	_ =	shalt  }
0x76: {  	_ =	shalt  }
0x77: {  	_ =	shalt  }
0x78: {  	_ =	shalt  }
0x79: {  	_ =	shalt  }
0x7a: {  	_ =	shalt  }
0x7b: {  	_ =	shalt  }
0x7c: {  	_ =	shalt  }
0x7d: {  	_ =	shalt  }
0x7e: {  	_ =	shalt  }
0x7f: {  	_ =	shalt  }
0x80: {  	_ =	shalt  }
0x81: {  	_ =	shalt  }
0x82: {  	_ =	shalt  }
0x83: {  	_ =	shalt  }
0x84: {  	_ =	shalt  }
0x85: {  	_ =	shalt  }
0x86: {  	_ =	shalt  }
0x87: {  	_ =	shalt  }
.Lfunc_end0:
.L_simem_size_0:
called_computation_lowered:
.L_overlay_start_0:
0x88: {  	s2 =	sld [smem:$0x3FD9]  }
0x89: {  	s3 =	sld [smem:$0x3FFE];
	_ =	sdelay $0x1  }
0x8a: {  	s1 =	srdreg.scid  }
0x8b: {  	s0 =	sand.u32 $0x1, s1  }
0x8c: {  	s17 =	sshll.u32 s0, $0xA;
	s2 =	sadd.s32 s3, s2  }
0x8d: {  	s2 =	sadd.s32 s2, s17  }
0x8e: {  	[smem:$0x3FC4] =	sst s2  }
0x8f: {  	_ = 	snop  }
0x90: {  	s2 =	sld [smem:$0x3FD0];
	(tm) =	ssettm $0x1  }
0x91: {  	s18 =	sld [smem:$0x3FFB];
	_ =	sdelay $0x3  }
0x92: {  	_ =	strace s18  }
0x93: {  	s3 =	sld [smem:$0x3FFC];
	_ =	sdelay $0x3  }
0x94: {  	_ =	strace s3  }
0x95: {  	s3 =	sld [smem:$0x3FFD];
	_ =	sdelay $0x3  }
0x96: {  	_ =	strace s3  }
0x97: {  	_ =	strace $0x8FFFFFFF  }
0x98: {  	s19 =	sld [smem:$0x3FDB];
	_ =	sdelay $0x1  }
0x99: {  	s4 =	simm.s32 $_scs_section_size  }
0x9a: {  	s5 =	simm.s32 $_size__tile_overlayer_lowered;
	s6 =	simm.s32 $_tile_overlayer_lowered  }
0x9b: {  	s22 =	simm.s32 $0x1BFF;
	s21 =	sshll.u32 s6, $0x1;
	s3 =	sadd.s32 s4, s19  }
0x9c: {  	s7 =	simm.s32 $0x0;
	s20 =	sshll.u32 s5, $0x1;
	s5 =	sadd.s32 s21, s3  }
0x9d: {  	[timem:s7], [sflag:s22] =	dma.local [hbm:s5], s20  }
0x9e: {  	_ =	swait.ge [sflag:s22], s20  }
0x9f: {  	s4 =	ssub.s32 $0x0, s20;
	[sflag:s22] =	ssyncset.done $0x0  }
0xa0: {  	[sflag:s22] =	ssyncadd.s32 s4;
	_ =	sdelay $0x1  }
0xa1: {  	s23 =	simm.s32 $0x1B8B  }
0xa2: {  	_ =	swait.ge [sflag:s23], $0x1  }
0xa3: {  	[sflag:s23] =	ssyncset.done $0x0  }
0xa4: {  	s25 =	simm.s32 $0x1B8E;
	s24 =	sld [smem:$0x3FFE];
	[sflag:s23] =	ssyncadd.s32 $0xFFFFFFFF  }
0xa5: {  	s26 =	simm.s32 $execute0_lowered;
	[smem:$0x3FD2] =	sst s25  }
0xa6: {  	s5 =	sshll.u32 s26, $0x1;
	_ =	strace $0x80000046;
	[dreg:$0x1] =	wrdreg $0xFFFFFFFF  }
0xa7: {  	s28 =	simm.s32 $_size_execute0_lowered;
	s3 =	sadd.s32 s3, s5;
	[dreg:$0x0] =	wrdreg $0x0  }
0xa8: {  	s5 =	sshll.u32 s28, $0x1;
	[dreg:$0x2] =	wrdreg s3  }
0xa9: {  	[dreg:$0x3] =	wrdreg s5  }
0xaa: {  	[dreg:$0x4] =	wrdreg $0xC0  }
0xab: {  	_ =	task [dreg:s7], $0x5FFFF  }
0xac: {  	[dreg:$0x1] =	wrdreg $0xFFFFFFFF  }
0xad: {  	[dreg:$0x0] =	wrdreg $0x60  }
0xae: {  	[dreg:$0x2] =	wrdreg s24  }
0xaf: {  	[dreg:$0x3] =	wrdreg s2  }
0xb0: {  	[dreg:$0x4] =	wrdreg $0x9  }
0xb1: {  	_ =	task.clear_ibuf [dreg:s7], $0x5FFFF;
	_ =	strace $0x90000046  }
0xb2: {  	s29 =	simm.s32 $0x9;
	_ =	strace $0x80000048  }
0xb3: {  	_ =	swait.ge [sflag:s29], $0x1  }
0xb4: {  	[sflag:s29] =	ssyncadd.s32 $0xFFFFFFFF  }
0xb5: {  	_ =	strace $0x90000048  }
0xb6: {  	_ =	sfence  }
0xb7: {  	s30 =	sld [smem:$0x0];
	_ =	sdelay $0x2  }
0xb8: {  	s31 =	sshll.u32 s1, $0xD;
	s1 =	sshrl.u32 s1, $0x2  }
0xb9: {  	s3 =	sand.u32 $0x4000, s31;
	s1 =	sadd.s32 s1, s30  }
0xba: {  	s0 =	sor.u32 s3, s0;
	s1 =	sshll.u32 s1, $0x11  }
0xbb: {  	s0 =	sor.u32 s1, s0  }
0xbc: {  	s0 =	sadd.s32 $0x8F2B, s0  }
0xbd: {  	[sflag:s0] =	ssyncadd.remote.s32 $0x1  }
0xbe: {  	_ =	sfence.sel $0xFFFF  }
0xbf: {  	[dreg:$0x0] =	wrdreg $0xFFFFFFFF;
	(pc) =	sbr.abs _section_cstart, $3  }
0xc0: {  	[dreg:$0x1] =	wrdreg $0xFFFFFFFF  }
0xc1: {  	_ =	task.clear_ibuf [dreg:s7], $0x2FFFF;
	_ =	strace $0x9FFFFFFF  }
0xc2: {  	(tm) =	ssettm $0x7FFFFFFF  }
0xc3: {  	_ =	shalt  }
tec
execute0_lowered:
.L_overlay_start_1:
0x0: {  	(tag) =	ssettag $0x1  }
0x1: {  	s5 =	rddreg [dreg:$0x0]  }
0x2: {  	s2 =	rddreg [dreg:$0x1]  }
0x3: {  	s0 =	rddreg [dreg:$0x2];
	s1 =	stileid.u32  }
0x4: {  	s4 =	srdreg.scid;
	s7 =	smul.u32 $0x4E20, s1  }
0x5: {  	s3 =	simm.s32 $0x0;
	s13 =	simm.s32 $0x2;
	s9 =	smul.u32 $0x27100, s1  }
0x6: {  	s14 =	simm.s32 $0x0;
	s6 =	sand.u32 $0x1, s4;
	s26 =	smul.u32 $0x9C40, s1  }
0x7: {  	[smem:$0x7FF] =	sst s3;
	s4 =	sadd.s32 $0x1000, s5;
	s8 =	smul.u32 $0x2710, s6  }
0x8: {  	_ =	strace $0x80000047;
	s10 =	ssub.s32 $0x2, s6;
	s11 =	smul.u32 $0x4E20, s6  }
0x9: {  	s6 =	smul.u32 $0x13880, s6;
	s28 =	sshrl.u32 s10, $0x1;
	s9 =	sadd.s32 s9, s5  }
0xa: {  	s7 =	sadd.s32 s8, s7;
	s8 =	sadd.s32 s26, s5;
	s29 =	ssub.s32 s10, s28  }
0xb: {  	s31 =	sadd.s32 s6, s9;
	s9 =	simm.s32 $0x3;
	s10 =	simm.s32 $0x50  }
0xc: {  	s7 =	sshrl.u32 s7, $0x3;
	s30 =	sadd.s32 s11, s8;
	s11 =	simm.s32 $0x1450  }
0xd: {  	s12 =	sadd.s32 s7, s5;
	s5 =	smax.u32 s29, $0x1;
	s6 =	sadd.s32 $0x28F800, s30  }
0xe: {  	s7 =	sadd.s32 $0x1E800, s31;
	s8 =	sadd.s32 $0x14A00, s12;
	s12 =	simm.s32 $0x1  }
.LBB2_1:
0xf: {  	s15 =	sadd.s32 $0x0, s8  }
0x10: {  	[tilespmem:s3], [sflag:$0x3] =	stream.linear.gather [hbm4b:s15+s3], $0x50, $0x38;
	[tilespmem:$0x1950] =	vst v63  }
0x11: {  	_ =	swait.ge [sflag:s9], $0x50  }
0x12: {  	[sflag:s9] =	ssyncset.done $0x0  }
0x13: {  	[sflag:s9] =	ssyncadd.s32 $0xFFFFFFB0  }
0x14: {  	[tilespmem:s10], [sflag:$0x1] =	stream.indirect.gather [hbm4b:s4+s10], $0x40, s3, s10, $0xb8;
	[tilespmem:$0x1950] =	vst v63  }
0x15: {  	_ = 	snop  }
0x16: {  	[tilespmem:s11], [sflag:$0x2] =	stream.indirect.gather [hbm4b:s2+s10], $0x10, s3, s10, $0xb8;
	[tilespmem:$0x1950] =	vst v63  }
0x17: {  	_ =	swait.ge [sflag:s12], $0x1400  }
0x18: {  	[sflag:s12] =	ssyncset.done $0x0  }
0x19: {  	[sflag:s12] =	ssyncadd.s32 $0xFFFFEC00  }
0x1a: {  	_ =	swait.ge [sflag:s13], $0x500  }
0x1b: {  	[sflag:s13] =	ssyncset.done $0x0  }
0x1c: {  	[sflag:s13] =	ssyncadd.s32 $0xFFFFFB00  }
0x1d: {  	[hbm4b:s7+s3] =	stream.linear.scatter [tilespmem:s10], [sflag:$0x3], $0x1400, $0x38;
	[tilespmem:$0x1950] =	vst v63  }
0x1e: {  	_ =	swait.ge [sflag:s9], $0x1400  }
0x1f: {  	[sflag:s9] =	ssyncset.done $0x0  }
0x20: {  	[sflag:s9] =	ssyncadd.s32 $0xFFFFEC00  }
0x21: {  	[hbm4b:s6+s3] =	stream.linear.scatter [tilespmem:s11], [sflag:$0x3], $0x500, $0x38;
	[tilespmem:$0x1950] =	vst v63  }
0x22: {  	s17 =	simm.s32 $0xA;
	s18 =	simm.s32 $0x14;
	_ =	swait.ge [sflag:s9], $0x500  }
0x23: {  	s16 =	sadd.s32 $0x280, s7;
	s15 =	sadd.s32 $0xA0, s6;
	[sflag:s9] =	ssyncset.done $0x0  }
.LBB2_2:
0x24: {  	s19 =	sadd.s32 s17, s8  }
0x25: {  	[sflag:s9] =	ssyncadd.s32 $0xFFFFFB00;
	s17 =	smov.u32 s18;
	s20 =	sadd.s32 $0xA, s18  }
0x26: {  	[tilespmem:s3], [sflag:$0x3] =	stream.linear.gather [hbm4b:s19+s3], $0x50, $0x38;
	[tilespmem:$0x1950] =	vst v63  }
0x27: {  	p0 =	sne.s32 s18, $0x4D8;
	_ =	swait.ge [sflag:s9], $0x50  }
0x28: {  	[sflag:s9] =	ssyncset.done $0x0  }
0x29: {  	[sflag:s9] =	ssyncadd.s32 $0xFFFFFFB0  }
0x2a: {  	[tilespmem:s10], [sflag:$0x1] =	stream.indirect.gather [hbm4b:s4+s10], $0x40, s3, s10, $0xb8;
	[tilespmem:$0x1950] =	vst v63  }
0x2b: {  	_ = 	snop  }
0x2c: {  	[tilespmem:s11], [sflag:$0x2] =	stream.indirect.gather [hbm4b:s2+s10], $0x10, s3, s10, $0xb8;
	[tilespmem:$0x1950] =	vst v63  }
0x2d: {  	_ =	swait.ge [sflag:s12], $0x1400  }
0x2e: {  	[sflag:s12] =	ssyncset.done $0x0  }
0x2f: {  	[sflag:s12] =	ssyncadd.s32 $0xFFFFEC00  }
0x30: {  	_ =	swait.ge [sflag:s13], $0x500  }
0x31: {  	[sflag:s13] =	ssyncset.done $0x0  }
0x32: {  	[sflag:s13] =	ssyncadd.s32 $0xFFFFFB00  }
0x33: {  	[hbm4b:s16+s3] =	stream.linear.scatter [tilespmem:s10], [sflag:$0x3], $0x1400, $0x38;
	[tilespmem:$0x1950] =	vst v63  }
0x34: {  	_ =	swait.ge [sflag:s9], $0x1400  }
.Ltmp0:
0x35: {  	[sflag:s9] =	ssyncset.done $0x0;
	(pc) =	sbr.rel @p0 .LBB2_2-.Ltmp0, $4  }
0x36: {  	[sflag:s9] =	ssyncadd.s32 $0xFFFFEC00  }
0x37: {  	[hbm4b:s15+s3] =	stream.linear.scatter [tilespmem:s11], [sflag:$0x3], $0x500, $0x38;
	[tilespmem:$0x1950] =	vst v63  }
0x38: {  	s18 =	smov.u32 s20;
	_ =	swait.ge [sflag:s9], $0x500  }
0x39: {  	s16 =	sadd.s32 $0x280, s16;
	s15 =	sadd.s32 $0xA0, s15;
	[sflag:s9] =	ssyncset.done $0x0  }
0x3a: {  	s17 =	sadd.s32 s17, s8;
	[sflag:s9] =	ssyncadd.s32 $0xFFFFFB00  }
0x3b: {  	[tilespmem:s3], [sflag:$0x3] =	stream.linear.gather [hbm4b:s17+s3], $0x50, $0x38;
	[tilespmem:$0x1950] =	vst v63  }
0x3c: {  	_ =	swait.ge [sflag:s9], $0x50  }
0x3d: {  	[sflag:s9] =	ssyncset.done $0x0  }
0x3e: {  	[sflag:s9] =	ssyncadd.s32 $0xFFFFFFB0  }
0x3f: {  	[tilespmem:s10], [sflag:$0x1] =	stream.indirect.gather [hbm4b:s4+s10], $0x40, s3, s10, $0xb8;
	[tilespmem:$0x1950] =	vst v63  }
0x40: {  	_ = 	snop  }
0x41: {  	[tilespmem:s11], [sflag:$0x2] =	stream.indirect.gather [hbm4b:s2+s10], $0x10, s3, s10, $0xb8;
	[tilespmem:$0x1950] =	vst v63  }
0x42: {  	_ =	swait.ge [sflag:s12], $0x1400  }
0x43: {  	[sflag:s12] =	ssyncset.done $0x0  }
0x44: {  	[sflag:s12] =	ssyncadd.s32 $0xFFFFEC00  }
0x45: {  	_ =	swait.ge [sflag:s13], $0x500  }
0x46: {  	[sflag:s13] =	ssyncset.done $0x0  }
0x47: {  	[sflag:s13] =	ssyncadd.s32 $0xFFFFFB00  }
0x48: {  	[hbm4b:s16+s3] =	stream.linear.scatter [tilespmem:s10], [sflag:$0x3], $0x1400, $0x38;
	[tilespmem:$0x1950] =	vst v63  }
0x49: {  	s14 =	sadd.s32 $0x1, s14;
	_ =	swait.ge [sflag:s9], $0x1400  }
0x4a: {  	p0 =	sne.s32 s14, s5;
	[sflag:s9] =	ssyncset.done $0x0  }
.Ltmp1:
0x4b: {  	[sflag:s9] =	ssyncadd.s32 $0xFFFFEC00;
	(pc) =	sbr.rel @p0 .LBB2_1-.Ltmp1, $4  }
0x4c: {  	[hbm4b:s15+s3] =	stream.linear.scatter [tilespmem:s11], [sflag:$0x3], $0x500, $0x38;
	[tilespmem:$0x1950] =	vst v63  }
0x4d: {  	_ =	swait.ge [sflag:s9], $0x500  }
0x4e: {  	[sflag:s9] =	ssyncset.done $0x0  }
0x4f: {  	[sflag:s9] =	ssyncadd.s32 $0xFFFFFB00  }
0x50: {  	_ =	sfence.sel $0x180000  }
0x51: {  	[bflag:$0x0] =	sbarrier.arrive $0xFFFF  }
0x52: {  	p0 =	sne.s32 s1, $0x0;
	_ =	strace $0x90000047  }
0x53: {  	s0 =	sadd.s32 @!p0 $0x100000, s0;
	[bflag:$0x2] =	sbarrier.arrive $0xFFFF  }
0x54: {  	[sflag:s0] =	ssyncadd.tile.s32 @!p0 $0x1;
	_ =	shalt  }
.Lfunc_end2:
_tile_overlayer_lowered:
.L_overlay_start_2:
0x55: {  	(tag) =	ssettag $0x2  }
0x56: {  	s0 =	rddreg [dreg:$0x0];
	s2 =	stileid.u32  }
0x57: {  	s1 =	rddreg [dreg:$0x1];
	p0 =	sne.s32 s2, $0x0  }
0x58: {  	s3 =	rddreg [dreg:$0x2];
	[bflag:$0x3] =	sbarrier.arrive $0xFFFF;
	s2 =	simm.s32 @!p0 $0x1C03  }
0x59: {  	[timem:s3], [sflag:s2] =	dma.local @!p0 [hbm:s0], s1  }
0x5a: {  	s0 =	simm.s32 @!p0 $0x3  }
0x5b: {  	_ =	swait.ge @!p0 [sflag:s0], s1  }
0x5c: {  	s1 =	ssub.s32 @!p0 $0x0, s1;
	[sflag:s0] =	ssyncset.done @!p0 $0x0  }
0x5d: {  	[sflag:s0] =	ssyncadd.s32 @!p0 s1  }
0x5e: {  	[bflag:$0x3] =	sbarrier.arrive $0xFFFF  }
0x5f: {  	_ =	shalt  }

</sc_bundles>
